<compile_context>
chip_gen: v7x
topology: tpu7x:2x2x1
jax: 0.10.2.dev20260603
libtpu: 0.0.44.dev20260713+nightly
codegen_flags: <defaults>
</compile_context>

<pallas_src>
import jax
import jax.numpy as jnp
import numpy as np
from jax.experimental import pallas as pl
from jax.experimental.pallas import tpu as pltpu

_BF = jnp.bfloat16


def _kv_body(p_ref, w2_ref, srb_ref, g_ref, b_ref, wkv_ref, kv_ref):
    p = p_ref[0]
    y = jnp.dot(p, w2_ref[...], preferred_element_type=jnp.float32)
    y = y + srb_ref[...]
    mu = jnp.mean(y, axis=-1, keepdims=True)
    var = jnp.mean(jnp.square(y - mu), axis=-1, keepdims=True)
    y = (y - mu) * jax.lax.rsqrt(var + 1e-5)
    y = y * g_ref[...] + b_ref[...]
    kv_ref[0] = jnp.dot(y.astype(_BF), wkv_ref[...],
                        preferred_element_type=jnp.float32).astype(_BF)


def _attn_body(q_ref, wq_ref, kv_ref, wp_ref, bp_ref, o_ref, *, nh, hd, C):
    qp = jnp.dot(q_ref[...], wq_ref[...],
                 preferred_element_type=jnp.float32).astype(_BF)
    kv = kv_ref[0]
    outs = []
    for h in range(nh):
        qh = qp[:, h * hd:(h + 1) * hd]
        kh = kv[:, h * hd:(h + 1) * hd]
        vh = kv[:, C + h * hd:C + (h + 1) * hd]
        logits = jax.lax.dot_general(
            qh, kh, (((1,), (1,)), ((), ())),
            preferred_element_type=jnp.float32)
        m = jnp.max(logits, axis=-1, keepdims=True)
        e = jnp.exp(logits - m)
        a = (e / jnp.sum(e, axis=-1, keepdims=True)).astype(_BF)
        outs.append(jnp.dot(a, vh, preferred_element_type=jnp.float32))
    o = jnp.concatenate(outs, axis=1).astype(_BF)
    o_ref[...] = (jnp.dot(o, wp_ref[...], preferred_element_type=jnp.float32)
                  + bp_ref[...])


def kernel(x, q, H, W, q_lengths, Wq, Wkv, sr_w, sr_b, gamma, beta, Wp, bp):
    B, N, C = x.shape
    nh = 8
    hd = C // nh
    Hs = int(np.sqrt(N))
    Ws = N // Hs
    Ho, Wo = Hs // 2, Ws // 2
    Nk = Ho * Wo
    total_q = q.shape[0]
    Lq = total_q // B

    residual = ((jnp.asarray(H) - Hs) + (jnp.asarray(W) - Ws)
                + (q_lengths.sum() - total_q))
    scale = hd ** (-0.5) + residual.astype(jnp.float32)

    P = (x.reshape(B, Ho, 2, Wo, 2, C)
         .transpose(0, 1, 3, 2, 4, 5)
         .reshape(B, Nk, 4 * C)).astype(_BF)
    W2 = sr_w.transpose(2, 3, 1, 0).reshape(4 * C, C).astype(_BF)

    srb2 = sr_b.reshape(1, C)
    g2 = gamma.reshape(1, C)
    b2 = beta.reshape(1, C)
    bp2 = bp.reshape(1, C)
    Wq_s = (Wq * scale).astype(_BF)

    kv = pl.pallas_call(
        _kv_body,
        grid=(B,),
        in_specs=[
            pl.BlockSpec((1, Nk, 4 * C), lambda b: (b, 0, 0)),
            pl.BlockSpec((4 * C, C), lambda b: (0, 0)),
            pl.BlockSpec((1, C), lambda b: (0, 0)),
            pl.BlockSpec((1, C), lambda b: (0, 0)),
            pl.BlockSpec((1, C), lambda b: (0, 0)),
            pl.BlockSpec((C, 2 * C), lambda b: (0, 0)),
        ],
        out_specs=pl.BlockSpec((1, Nk, 2 * C), lambda b: (b, 0, 0)),
        out_shape=jax.ShapeDtypeStruct((B, Nk, 2 * C), _BF),
    )(P, W2, srb2, g2, b2, Wkv.astype(_BF))

    BQ = 512
    nblk = Lq // BQ
    body = lambda *refs: _attn_body(*refs, nh=nh, hd=hd, C=C)
    out = pl.pallas_call(
        body,
        grid=(B, nblk),
        in_specs=[
            pl.BlockSpec((BQ, C), lambda b, i: (b * nblk + i, 0)),
            pl.BlockSpec((C, C), lambda b, i: (0, 0)),
            pl.BlockSpec((1, Nk, 2 * C), lambda b, i: (b, 0, 0)),
            pl.BlockSpec((C, C), lambda b, i: (0, 0)),
            pl.BlockSpec((1, C), lambda b, i: (0, 0)),
        ],
        out_specs=pl.BlockSpec((BQ, C), lambda b, i: (b * nblk + i, 0)),
        out_shape=jax.ShapeDtypeStruct((total_q, C), jnp.float32),
    )(q.astype(_BF), Wq_s, kv, Wp.astype(_BF), bp2)
    return out

# --- scband reference (transcript-rebuilt; emitter-appended) ---
"""Pipeline reference for scband-attention-14035953123627 (READ-ONLY COPY).

The authoritative reference and input builder live on the scoring server;
editing this copy changes nothing except your own understanding.
"""

import jax, jax.numpy as jnp
import numpy as np


def setup_inputs(seed: int = 0) -> dict:
    key = jax.random.key(seed)
    ks = jax.random.split(key, 8)
    B, N, C, H, W = 8, 4096, 512, 64, 64
    Lq = 2048
    s = 0.02
    x = jax.random.normal(ks[0], (B, N, C), dtype=jnp.float32)
    q = jax.random.normal(ks[1], (B * Lq, C), dtype=jnp.float32)
    q_lengths = jnp.full((B,), Lq, dtype=jnp.int32)
    Wq = jax.random.normal(ks[2], (C, C), dtype=jnp.float32) * s
    Wkv = jax.random.normal(ks[3], (C, 2 * C), dtype=jnp.float32) * s
    sr_w = jax.random.normal(ks[4], (C, C, 2, 2), dtype=jnp.float32) * s
    sr_b = jnp.zeros((C,), dtype=jnp.float32)
    gamma = jnp.ones((C,), dtype=jnp.float32)
    beta = jnp.zeros((C,), dtype=jnp.float32)
    Wp = jax.random.normal(ks[5], (C, C), dtype=jnp.float32) * s
    bp = jnp.zeros((C,), dtype=jnp.float32)
    return {"x": x, "q": q, "H": H, "W": W, "q_lengths": q_lengths,
            "Wq": Wq, "Wkv": Wkv, "sr_w": sr_w, "sr_b": sr_b,
            "gamma": gamma, "beta": beta, "Wp": Wp, "bp": bp}


def reference(x, q, H, W, q_lengths, Wq, Wkv, sr_w, sr_b, gamma, beta, Wp, bp):
    B, N, C = x.shape
    nh = 8
    hd = C // nh
    scale = hd ** (-0.5)
    Hs = int(np.sqrt(N))
    Ws = N // Hs
    residual = ((jnp.asarray(H) - Hs) + (jnp.asarray(W) - Ws)
                + (q_lengths.sum() - q.shape[0]))
    scale = scale + residual.astype(jnp.float32)
    # q projection -> [nh, total_q, hd]
    qp = (q @ Wq).reshape(-1, nh, hd).transpose(1, 0, 2)
    # spatial reduction conv (sr_ratio=2)
    x_ = x.transpose(0, 2, 1).reshape(B, C, Hs, Ws)
    x_ = jax.lax.conv_general_dilated(
        x_, sr_w, window_strides=(2, 2), padding='VALID',
        dimension_numbers=('NCHW', 'OIHW', 'NCHW')) + sr_b[None, :, None, None]
    x_ = x_.reshape(B, C, -1).transpose(0, 2, 1)
    # layernorm
    mu = x_.mean(axis=-1, keepdims=True)
    var = x_.var(axis=-1, keepdims=True)
    x_ = (x_ - mu) / jnp.sqrt(var + 1e-5) * gamma + beta
    # kv projection -> [2, nh, B, Nk, hd]
    kv = (x_ @ Wkv).reshape(B, -1, 2, nh, hd).transpose(2, 3, 0, 1, 4)
    k, v = kv[0], kv[1]
    # equal q_lengths -> dense batched attention path
    q_ = qp.reshape(nh, B, -1, hd)
    attn = jnp.einsum('hbqd,hbkd->hbqk', q_, k) * scale
    attn = jax.nn.softmax(attn, axis=-1)
    out = jnp.einsum('hbqk,hbkd->hbqd', attn, v)
    out = out.transpose(1, 2, 0, 3).reshape(-1, C)
    out = out @ Wp + bp
    return out

if __name__ == "__main__":
    import jax
    _d = setup_inputs()
    print(jax.jit(kernel)(*tuple(_d.values())))

</pallas_src>

<mosaic_0001>
module attributes {stable_mosaic.version = 14 : i64} {
  func.func @_kv_body(%arg0: i32, %arg1: memref<1x1024x2048xbf16, #tpu.memory_space<vmem>>, %arg2: memref<2048x512xbf16, #tpu.memory_space<vmem>>, %arg3: memref<1x512xf32, #tpu.memory_space<vmem>>, %arg4: memref<1x512xf32, #tpu.memory_space<vmem>>, %arg5: memref<1x512xf32, #tpu.memory_space<vmem>>, %arg6: memref<512x1024xbf16, #tpu.memory_space<vmem>>, %arg7: memref<1x1024x1024xbf16, #tpu.memory_space<vmem>>) attributes {dimension_semantics = [#tpu.dimension_semantics<arbitrary>], iteration_bounds = array<i64: 8>, scalar_prefetch = 0 : i64, scratch_operands = 0 : i64, tpu.core_type = #tpu.core_type<tc>, window_params = [{transform_indices = @transform_0, window_bounds = array<i64: 1, 1024, 2048>}, {pipeline_mode = #tpu.pipeline_mode<synchronous>, transform_indices = @transform_1, window_bounds = array<i64: 2048, 512>}, {pipeline_mode = #tpu.pipeline_mode<synchronous>, transform_indices = @transform_2, window_bounds = array<i64: 1, 512>}, {pipeline_mode = #tpu.pipeline_mode<synchronous>, transform_indices = @transform_3, window_bounds = array<i64: 1, 512>}, {pipeline_mode = #tpu.pipeline_mode<synchronous>, transform_indices = @transform_4, window_bounds = array<i64: 1, 512>}, {pipeline_mode = #tpu.pipeline_mode<synchronous>, transform_indices = @transform_5, window_bounds = array<i64: 512, 1024>}, {transform_indices = @transform_6, window_bounds = array<i64: 1, 1024, 1024>}]} {
    %get3A = arith.constant 0 : index
    %get3A_0 = arith.constant 0 : index
    %get3A_1 = arith.constant 0 : index
    %get3A_2 = vector.load %arg1[%get3A, %get3A_0, %get3A_1] : memref<1x1024x2048xbf16, #tpu.memory_space<vmem>>, vector<1x1024x2048xbf16>
    %get3A_3 = vector.shape_cast %get3A_2 : vector<1x1024x2048xbf16> to vector<1024x2048xbf16>
    %get3A_4 = arith.constant 0 : index
    %get3A_5 = arith.constant 0 : index
    %get3A_6 = vector.load %arg2[%get3A_4, %get3A_5] : memref<2048x512xbf16, #tpu.memory_space<vmem>>, vector<2048x512xbf16>
    %dot_general3A = arith.constant dense<0.000000e+00> : vector<1024x512xf32>
    %dot_general3A_7 = tpu.matmul %get3A_3, %get3A_6, %dot_general3A {dimension_numbers = #tpu.dot_dimension_numbers<[1], [0], [0], [1], [0, 0, 1, 1], [], []>, transpose_lhs_hint = false} : vector<1024x2048xbf16>, vector<2048x512xbf16>, vector<1024x512xf32> -> vector<1024x512xf32>
    %get3A_8 = arith.constant 0 : index
    %get3A_9 = arith.constant 0 : index
    %get3A_10 = vector.load %arg3[%get3A_8, %get3A_9] : memref<1x512xf32, #tpu.memory_space<vmem>>, vector<1x512xf32>
    %add3A = vector.broadcast %get3A_10 : vector<1x512xf32> to vector<1024x512xf32>
    %add3A_11 = arith.addf %dot_general3A_7, %add3A : vector<1024x512xf32>
    %reduce_sum3A = arith.constant dense<0.000000e+00> : vector<1024xf32>
    %reduce_sum3A_12 = vector.multi_reduction <add>, %add3A_11, %reduce_sum3A [1] : vector<1024x512xf32> to vector<1024xf32>
    %broadcast_in_dim3A = vector.shape_cast %reduce_sum3A_12 : vector<1024xf32> to vector<1024x1xf32>
    %div3A = arith.constant 5.120000e+02 : f32
    %div3A_13 = vector.broadcast %div3A : f32 to vector<1024x1xf32>
    %div3A_14 = arith.divf %broadcast_in_dim3A, %div3A_13 : vector<1024x1xf32>
    %sub3A = vector.broadcast %div3A_14 : vector<1024x1xf32> to vector<1024x512xf32>
    %sub3A_15 = arith.subf %add3A_11, %sub3A : vector<1024x512xf32>
    %square3A = arith.mulf %sub3A_15, %sub3A_15 : vector<1024x512xf32>
    %reduce_sum3A_16 = arith.constant dense<0.000000e+00> : vector<1024xf32>
    %reduce_sum3A_17 = vector.multi_reduction <add>, %square3A, %reduce_sum3A_16 [1] : vector<1024x512xf32> to vector<1024xf32>
    %broadcast_in_dim3A_18 = vector.shape_cast %reduce_sum3A_17 : vector<1024xf32> to vector<1024x1xf32>
    %div3A_19 = arith.constant 5.120000e+02 : f32
    %div3A_20 = vector.broadcast %div3A_19 : f32 to vector<1024x1xf32>
    %div3A_21 = arith.divf %broadcast_in_dim3A_18, %div3A_20 : vector<1024x1xf32>
    %sub3A_22 = vector.broadcast %div3A_14 : vector<1024x1xf32> to vector<1024x512xf32>
    %sub3A_23 = arith.subf %add3A_11, %sub3A_22 : vector<1024x512xf32>
    %add3A_24 = arith.constant 9.99999974E-6 : f32
    %add3A_25 = vector.broadcast %add3A_24 : f32 to vector<1024x1xf32>
    %add3A_26 = arith.addf %div3A_21, %add3A_25 : vector<1024x1xf32>
    %rsqrt3A = math.rsqrt %add3A_26 : vector<1024x1xf32>
    %mul3A = vector.broadcast %rsqrt3A : vector<1024x1xf32> to vector<1024x512xf32>
    %mul3A_27 = arith.mulf %sub3A_23, %mul3A : vector<1024x512xf32>
    %get3A_28 = arith.constant 0 : index
    %get3A_29 = arith.constant 0 : index
    %get3A_30 = vector.load %arg4[%get3A_28, %get3A_29] : memref<1x512xf32, #tpu.memory_space<vmem>>, vector<1x512xf32>
    %mul3A_31 = vector.broadcast %get3A_30 : vector<1x512xf32> to vector<1024x512xf32>
    %mul3A_32 = arith.mulf %mul3A_27, %mul3A_31 : vector<1024x512xf32>
    %get3A_33 = arith.constant 0 : index
    %get3A_34 = arith.constant 0 : index
    %get3A_35 = vector.load %arg5[%get3A_33, %get3A_34] : memref<1x512xf32, #tpu.memory_space<vmem>>, vector<1x512xf32>
    %add3A_36 = vector.broadcast %get3A_35 : vector<1x512xf32> to vector<1024x512xf32>
    %add3A_37 = arith.addf %mul3A_32, %add3A_36 : vector<1024x512xf32>
    %convert_element_type3A = arith.truncf %add3A_37 : vector<1024x512xf32> to vector<1024x512xbf16>
    %get3A_38 = arith.constant 0 : index
    %get3A_39 = arith.constant 0 : index
    %get3A_40 = vector.load %arg6[%get3A_38, %get3A_39] : memref<512x1024xbf16, #tpu.memory_space<vmem>>, vector<512x1024xbf16>
    %dot_general3A_41 = arith.constant dense<0.000000e+00> : vector<1024x1024xf32>
    %dot_general3A_42 = tpu.matmul %convert_element_type3A, %get3A_40, %dot_general3A_41 {dimension_numbers = #tpu.dot_dimension_numbers<[1], [0], [0], [1], [0, 0, 1, 1], [], []>, transpose_lhs_hint = false} : vector<1024x512xbf16>, vector<512x1024xbf16>, vector<1024x1024xf32> -> vector<1024x1024xf32>
    %convert_element_type3A_43 = arith.truncf %dot_general3A_42 : vector<1024x1024xf32> to vector<1024x1024xbf16>
    %swap3A = arith.constant 0 : index
    %swap3A_44 = arith.constant 0 : index
    %swap3A_45 = arith.constant 0 : index
    %swap3A_46 = vector.load %arg7[%swap3A, %swap3A_44, %swap3A_45] : memref<1x1024x1024xbf16, #tpu.memory_space<vmem>>, vector<1x1024x1024xbf16>
    %swap3A_47 = vector.shape_cast %swap3A_46 : vector<1x1024x1024xbf16> to vector<1024x1024xbf16>
    %swap3A_48 = vector.shape_cast %convert_element_type3A_43 : vector<1024x1024xbf16> to vector<1x1024x1024xbf16>
    tpu.vector_store %arg7[%swap3A, %swap3A_44, %swap3A_45], %swap3A_48 {strides = array<i32>} : memref<1x1024x1024xbf16, #tpu.memory_space<vmem>>, vector<1x1024x1024xbf16>,
    return
  }
  func.func @transform_0(%arg0: i32) -> (i32, i32, i32) {
    %c0_i32 = arith.constant 0 : i32
    %c0_i32_0 = arith.constant 0 : i32
    %c0_i32_1 = arith.constant 0 : i32
    return %arg0, %c0_i32, %c0_i32_0 : i32, i32, i32
  }
  func.func @transform_1(%arg0: i32) -> (i32, i32) {
    %c0_i32 = arith.constant 0 : i32
    %c0_i32_0 = arith.constant 0 : i32
    %c0_i32_1 = arith.constant 0 : i32
    return %c0_i32, %c0_i32_0 : i32, i32
  }
  func.func @transform_2(%arg0: i32) -> (i32, i32) {
    %c0_i32 = arith.constant 0 : i32
    %c0_i32_0 = arith.constant 0 : i32
    %c0_i32_1 = arith.constant 0 : i32
    return %c0_i32, %c0_i32_0 : i32, i32
  }
  func.func @transform_3(%arg0: i32) -> (i32, i32) {
    %c0_i32 = arith.constant 0 : i32
    %c0_i32_0 = arith.constant 0 : i32
    %c0_i32_1 = arith.constant 0 : i32
    return %c0_i32, %c0_i32_0 : i32, i32
  }
  func.func @transform_4(%arg0: i32) -> (i32, i32) {
    %c0_i32 = arith.constant 0 : i32
    %c0_i32_0 = arith.constant 0 : i32
    %c0_i32_1 = arith.constant 0 : i32
    return %c0_i32, %c0_i32_0 : i32, i32
  }
  func.func @transform_5(%arg0: i32) -> (i32, i32) {
    %c0_i32 = arith.constant 0 : i32
    %c0_i32_0 = arith.constant 0 : i32
    %c0_i32_1 = arith.constant 0 : i32
    return %c0_i32, %c0_i32_0 : i32, i32
  }
  func.func @transform_6(%arg0: i32) -> (i32, i32, i32) {
    %c0_i32 = arith.constant 0 : i32
    %c0_i32_0 = arith.constant 0 : i32
    %c0_i32_1 = arith.constant 0 : i32
    return %arg0, %c0_i32, %c0_i32_0 : i32, i32, i32
  }
}

module attributes {stable_mosaic.version = 14 : i64} {
  func.func @_lambda_(%arg0: i32, %arg1: i32, %arg2: memref<512x512xbf16, #tpu.memory_space<vmem>>, %arg3: memref<512x512xbf16, #tpu.memory_space<vmem>>, %arg4: memref<1x1024x1024xbf16, #tpu.memory_space<vmem>>, %arg5: memref<512x512xbf16, #tpu.memory_space<vmem>>, %arg6: memref<1x512xf32, #tpu.memory_space<vmem>>, %arg7: memref<512x512xf32, #tpu.memory_space<vmem>>) attributes {dimension_semantics = [#tpu.dimension_semantics<arbitrary>, #tpu.dimension_semantics<arbitrary>], iteration_bounds = array<i64: 8, 4>, scalar_prefetch = 0 : i64, scratch_operands = 0 : i64, tpu.core_type = #tpu.core_type<tc>, window_params = [{transform_indices = @transform_0, window_bounds = array<i64: 512, 512>}, {pipeline_mode = #tpu.pipeline_mode<synchronous>, transform_indices = @transform_1, window_bounds = array<i64: 512, 512>}, {transform_indices = @transform_2, window_bounds = array<i64: 1, 1024, 1024>}, {pipeline_mode = #tpu.pipeline_mode<synchronous>, transform_indices = @transform_3, window_bounds = array<i64: 512, 512>}, {pipeline_mode = #tpu.pipeline_mode<synchronous>, transform_indices = @transform_4, window_bounds = array<i64: 1, 512>}, {transform_indices = @transform_5, window_bounds = array<i64: 512, 512>}]} {
    %get3A = arith.constant 0 : index
    %get3A_0 = arith.constant 0 : index
    %get3A_1 = vector.load %arg2[%get3A, %get3A_0] : memref<512x512xbf16, #tpu.memory_space<vmem>>, vector<512x512xbf16>
    %get3A_2 = arith.constant 0 : index
    %get3A_3 = arith.constant 0 : index
    %get3A_4 = vector.load %arg3[%get3A_2, %get3A_3] : memref<512x512xbf16, #tpu.memory_space<vmem>>, vector<512x512xbf16>
    %dot_general3A = arith.constant dense<0.000000e+00> : vector<512x512xf32>
    %dot_general3A_5 = tpu.matmul %get3A_1, %get3A_4, %dot_general3A {dimension_numbers = #tpu.dot_dimension_numbers<[1], [0], [0], [1], [0, 0, 1, 1], [], []>, transpose_lhs_hint = false} : vector<512x512xbf16>, vector<512x512xbf16>, vector<512x512xf32> -> vector<512x512xf32>
    %convert_element_type3A = arith.truncf %dot_general3A_5 : vector<512x512xf32> to vector<512x512xbf16>
    %get3A_6 = arith.constant 0 : index
    %get3A_7 = arith.constant 0 : index
    %get3A_8 = arith.constant 0 : index
    %get3A_9 = vector.load %arg4[%get3A_6, %get3A_7, %get3A_8] : memref<1x1024x1024xbf16, #tpu.memory_space<vmem>>, vector<1x1024x1024xbf16>
    %get3A_10 = vector.shape_cast %get3A_9 : vector<1x1024x1024xbf16> to vector<1024x1024xbf16>
    %slice3A = vector.extract_strided_slice %convert_element_type3A {offsets = [0, 0], sizes = [512, 64], strides = [1, 1]} : vector<512x512xbf16> to vector<512x64xbf16>
    %slice3A_11 = vector.extract_strided_slice %get3A_10 {offsets = [0, 0], sizes = [1024, 64], strides = [1, 1]} : vector<1024x1024xbf16> to vector<1024x64xbf16>
    %slice3A_12 = vector.extract_strided_slice %get3A_10 {offsets = [0, 512], sizes = [1024, 64], strides = [1, 1]} : vector<1024x1024xbf16> to vector<1024x64xbf16>
    %dot_general3A_13 = arith.constant dense<0.000000e+00> : vector<512x1024xf32>
    %dot_general3A_14 = tpu.matmul %slice3A, %slice3A_11, %dot_general3A_13 {dimension_numbers = #tpu.dot_dimension_numbers<[1], [1], [0], [0], [0, 0, 1, 0], [], []>, transpose_lhs_hint = false} : vector<512x64xbf16>, vector<1024x64xbf16>, vector<512x1024xf32> -> vector<512x1024xf32>
    %reduce_max3A = arith.constant dense<0xFF800000> : vector<512xf32>
    %reduce_max3A_15 = vector.multi_reduction <maximumf>, %dot_general3A_14, %reduce_max3A [1] : vector<512x1024xf32> to vector<512xf32>
    %broadcast_in_dim3A = vector.shape_cast %reduce_max3A_15 : vector<512xf32> to vector<512x1xf32>
    %sub3A = vector.broadcast %broadcast_in_dim3A : vector<512x1xf32> to vector<512x1024xf32>
    %sub3A_16 = arith.subf %dot_general3A_14, %sub3A : vector<512x1024xf32>
    %exp3A = math.exp %sub3A_16 : vector<512x1024xf32>
    %reduce_sum3A = arith.constant dense<0.000000e+00> : vector<512xf32>
    %reduce_sum3A_17 = vector.multi_reduction <add>, %exp3A, %reduce_sum3A [1] : vector<512x1024xf32> to vector<512xf32>
    %broadcast_in_dim3A_18 = vector.shape_cast %reduce_sum3A_17 : vector<512xf32> to vector<512x1xf32>
    %div3A = vector.broadcast %broadcast_in_dim3A_18 : vector<512x1xf32> to vector<512x1024xf32>
    %div3A_19 = arith.divf %exp3A, %div3A : vector<512x1024xf32>
    %convert_element_type3A_20 = arith.truncf %div3A_19 : vector<512x1024xf32> to vector<512x1024xbf16>
    %dot_general3A_21 = arith.constant dense<0.000000e+00> : vector<512x64xf32>
    %dot_general3A_22 = tpu.matmul %convert_element_type3A_20, %slice3A_12, %dot_general3A_21 {dimension_numbers = #tpu.dot_dimension_numbers<[1], [0], [0], [1], [0, 0, 1, 1], [], []>, transpose_lhs_hint = false} : vector<512x1024xbf16>, vector<1024x64xbf16>, vector<512x64xf32> -> vector<512x64xf32>
    %slice3A_23 = vector.extract_strided_slice %convert_element_type3A {offsets = [0, 64], sizes = [512, 64], strides = [1, 1]} : vector<512x512xbf16> to vector<512x64xbf16>
    %slice3A_24 = vector.extract_strided_slice %get3A_10 {offsets = [0, 64], sizes = [1024, 64], strides = [1, 1]} : vector<1024x1024xbf16> to vector<1024x64xbf16>
    %slice3A_25 = vector.extract_strided_slice %get3A_10 {offsets = [0, 576], sizes = [1024, 64], strides = [1, 1]} : vector<1024x1024xbf16> to vector<1024x64xbf16>
    %dot_general3A_26 = arith.constant dense<0.000000e+00> : vector<512x1024xf32>
    %dot_general3A_27 = tpu.matmul %slice3A_23, %slice3A_24, %dot_general3A_26 {dimension_numbers = #tpu.dot_dimension_numbers<[1], [1], [0], [0], [0, 0, 1, 0], [], []>, transpose_lhs_hint = false} : vector<512x64xbf16>, vector<1024x64xbf16>, vector<512x1024xf32> -> vector<512x1024xf32>
    %reduce_max3A_28 = arith.constant dense<0xFF800000> : vector<512xf32>
    %reduce_max3A_29 = vector.multi_reduction <maximumf>, %dot_general3A_27, %reduce_max3A_28 [1] : vector<512x1024xf32> to vector<512xf32>
    %broadcast_in_dim3A_30 = vector.shape_cast %reduce_max3A_29 : vector<512xf32> to vector<512x1xf32>
    %sub3A_31 = vector.broadcast %broadcast_in_dim3A_30 : vector<512x1xf32> to vector<512x1024xf32>
    %sub3A_32 = arith.subf %dot_general3A_27, %sub3A_31 : vector<512x1024xf32>
    %exp3A_33 = math.exp %sub3A_32 : vector<512x1024xf32>
    %reduce_sum3A_34 = arith.constant dense<0.000000e+00> : vector<512xf32>
    %reduce_sum3A_35 = vector.multi_reduction <add>, %exp3A_33, %reduce_sum3A_34 [1] : vector<512x1024xf32> to vector<512xf32>
    %broadcast_in_dim3A_36 = vector.shape_cast %reduce_sum3A_35 : vector<512xf32> to vector<512x1xf32>
    %div3A_37 = vector.broadcast %broadcast_in_dim3A_36 : vector<512x1xf32> to vector<512x1024xf32>
    %div3A_38 = arith.divf %exp3A_33, %div3A_37 : vector<512x1024xf32>
    %convert_element_type3A_39 = arith.truncf %div3A_38 : vector<512x1024xf32> to vector<512x1024xbf16>
    %dot_general3A_40 = arith.constant dense<0.000000e+00> : vector<512x64xf32>
    %dot_general3A_41 = tpu.matmul %convert_element_type3A_39, %slice3A_25, %dot_general3A_40 {dimension_numbers = #tpu.dot_dimension_numbers<[1], [0], [0], [1], [0, 0, 1, 1], [], []>, transpose_lhs_hint = false} : vector<512x1024xbf16>, vector<1024x64xbf16>, vector<512x64xf32> -> vector<512x64xf32>
    %slice3A_42 = vector.extract_strided_slice %convert_element_type3A {offsets = [0, 128], sizes = [512, 64], strides = [1, 1]} : vector<512x512xbf16> to vector<512x64xbf16>
    %slice3A_43 = vector.extract_strided_slice %get3A_10 {offsets = [0, 128], sizes = [1024, 64], strides = [1, 1]} : vector<1024x1024xbf16> to vector<1024x64xbf16>
    %slice3A_44 = vector.extract_strided_slice %get3A_10 {offsets = [0, 640], sizes = [1024, 64], strides = [1, 1]} : vector<1024x1024xbf16> to vector<1024x64xbf16>
    %dot_general3A_45 = arith.constant dense<0.000000e+00> : vector<512x1024xf32>
    %dot_general3A_46 = tpu.matmul %slice3A_42, %slice3A_43, %dot_general3A_45 {dimension_numbers = #tpu.dot_dimension_numbers<[1], [1], [0], [0], [0, 0, 1, 0], [], []>, transpose_lhs_hint = false} : vector<512x64xbf16>, vector<1024x64xbf16>, vector<512x1024xf32> -> vector<512x1024xf32>
    %reduce_max3A_47 = arith.constant dense<0xFF800000> : vector<512xf32>
    %reduce_max3A_48 = vector.multi_reduction <maximumf>, %dot_general3A_46, %reduce_max3A_47 [1] : vector<512x1024xf32> to vector<512xf32>
    %broadcast_in_dim3A_49 = vector.shape_cast %reduce_max3A_48 : vector<512xf32> to vector<512x1xf32>
    %sub3A_50 = vector.broadcast %broadcast_in_dim3A_49 : vector<512x1xf32> to vector<512x1024xf32>
    %sub3A_51 = arith.subf %dot_general3A_46, %sub3A_50 : vector<512x1024xf32>
    %exp3A_52 = math.exp %sub3A_51 : vector<512x1024xf32>
    %reduce_sum3A_53 = arith.constant dense<0.000000e+00> : vector<512xf32>
    %reduce_sum3A_54 = vector.multi_reduction <add>, %exp3A_52, %reduce_sum3A_53 [1] : vector<512x1024xf32> to vector<512xf32>
    %broadcast_in_dim3A_55 = vector.shape_cast %reduce_sum3A_54 : vector<512xf32> to vector<512x1xf32>
    %div3A_56 = vector.broadcast %broadcast_in_dim3A_55 : vector<512x1xf32> to vector<512x1024xf32>
    %div3A_57 = arith.divf %exp3A_52, %div3A_56 : vector<512x1024xf32>
    %convert_element_type3A_58 = arith.truncf %div3A_57 : vector<512x1024xf32> to vector<512x1024xbf16>
    %dot_general3A_59 = arith.constant dense<0.000000e+00> : vector<512x64xf32>
    %dot_general3A_60 = tpu.matmul %convert_element_type3A_58, %slice3A_44, %dot_general3A_59 {dimension_numbers = #tpu.dot_dimension_numbers<[1], [0], [0], [1], [0, 0, 1, 1], [], []>, transpose_lhs_hint = false} : vector<512x1024xbf16>, vector<1024x64xbf16>, vector<512x64xf32> -> vector<512x64xf32>
    %slice3A_61 = vector.extract_strided_slice %convert_element_type3A {offsets = [0, 192], sizes = [512, 64], strides = [1, 1]} : vector<512x512xbf16> to vector<512x64xbf16>
    %slice3A_62 = vector.extract_strided_slice %get3A_10 {offsets = [0, 192], sizes = [1024, 64], strides = [1, 1]} : vector<1024x1024xbf16> to vector<1024x64xbf16>
    %slice3A_63 = vector.extract_strided_slice %get3A_10 {offsets = [0, 704], sizes = [1024, 64], strides = [1, 1]} : vector<1024x1024xbf16> to vector<1024x64xbf16>
    %dot_general3A_64 = arith.constant dense<0.000000e+00> : vector<512x1024xf32>
    %dot_general3A_65 = tpu.matmul %slice3A_61, %slice3A_62, %dot_general3A_64 {dimension_numbers = #tpu.dot_dimension_numbers<[1], [1], [0], [0], [0, 0, 1, 0], [], []>, transpose_lhs_hint = false} : vector<512x64xbf16>, vector<1024x64xbf16>, vector<512x1024xf32> -> vector<512x1024xf32>
    %reduce_max3A_66 = arith.constant dense<0xFF800000> : vector<512xf32>
    %reduce_max3A_67 = vector.multi_reduction <maximumf>, %dot_general3A_65, %reduce_max3A_66 [1] : vector<512x1024xf32> to vector<512xf32>
    %broadcast_in_dim3A_68 = vector.shape_cast %reduce_max3A_67 : vector<512xf32> to vector<512x1xf32>
    %sub3A_69 = vector.broadcast %broadcast_in_dim3A_68 : vector<512x1xf32> to vector<512x1024xf32>
    %sub3A_70 = arith.subf %dot_general3A_65, %sub3A_69 : vector<512x1024xf32>
    %exp3A_71 = math.exp %sub3A_70 : vector<512x1024xf32>
    %reduce_sum3A_72 = arith.constant dense<0.000000e+00> : vector<512xf32>
    %reduce_sum3A_73 = vector.multi_reduction <add>, %exp3A_71, %reduce_sum3A_72 [1] : vector<512x1024xf32> to vector<512xf32>
    %broadcast_in_dim3A_74 = vector.shape_cast %reduce_sum3A_73 : vector<512xf32> to vector<512x1xf32>
    %div3A_75 = vector.broadcast %broadcast_in_dim3A_74 : vector<512x1xf32> to vector<512x1024xf32>
    %div3A_76 = arith.divf %exp3A_71, %div3A_75 : vector<512x1024xf32>
    %convert_element_type3A_77 = arith.truncf %div3A_76 : vector<512x1024xf32> to vector<512x1024xbf16>
    %dot_general3A_78 = arith.constant dense<0.000000e+00> : vector<512x64xf32>
    %dot_general3A_79 = tpu.matmul %convert_element_type3A_77, %slice3A_63, %dot_general3A_78 {dimension_numbers = #tpu.dot_dimension_numbers<[1], [0], [0], [1], [0, 0, 1, 1], [], []>, transpose_lhs_hint = false} : vector<512x1024xbf16>, vector<1024x64xbf16>, vector<512x64xf32> -> vector<512x64xf32>
    %slice3A_80 = vector.extract_strided_slice %convert_element_type3A {offsets = [0, 256], sizes = [512, 64], strides = [1, 1]} : vector<512x512xbf16> to vector<512x64xbf16>
    %slice3A_81 = vector.extract_strided_slice %get3A_10 {offsets = [0, 256], sizes = [1024, 64], strides = [1, 1]} : vector<1024x1024xbf16> to vector<1024x64xbf16>
    %slice3A_82 = vector.extract_strided_slice %get3A_10 {offsets = [0, 768], sizes = [1024, 64], strides = [1, 1]} : vector<1024x1024xbf16> to vector<1024x64xbf16>
    %dot_general3A_83 = arith.constant dense<0.000000e+00> : vector<512x1024xf32>
    %dot_general3A_84 = tpu.matmul %slice3A_80, %slice3A_81, %dot_general3A_83 {dimension_numbers = #tpu.dot_dimension_numbers<[1], [1], [0], [0], [0, 0, 1, 0], [], []>, transpose_lhs_hint = false} : vector<512x64xbf16>, vector<1024x64xbf16>, vector<512x1024xf32> -> vector<512x1024xf32>
    %reduce_max3A_85 = arith.constant dense<0xFF800000> : vector<512xf32>
    %reduce_max3A_86 = vector.multi_reduction <maximumf>, %dot_general3A_84, %reduce_max3A_85 [1] : vector<512x1024xf32> to vector<512xf32>
    %broadcast_in_dim3A_87 = vector.shape_cast %reduce_max3A_86 : vector<512xf32> to vector<512x1xf32>
    %sub3A_88 = vector.broadcast %broadcast_in_dim3A_87 : vector<512x1xf32> to vector<512x1024xf32>
    %sub3A_89 = arith.subf %dot_general3A_84, %sub3A_88 : vector<512x1024xf32>
    %exp3A_90 = math.exp %sub3A_89 : vector<512x1024xf32>
    %reduce_sum3A_91 = arith.constant dense<0.000000e+00> : vector<512xf32>
    %reduce_sum3A_92 = vector.multi_reduction <add>, %exp3A_90, %reduce_sum3A_91 [1] : vector<512x1024xf32> to vector<512xf32>
    %broadcast_in_dim3A_93 = vector.shape_cast %reduce_sum3A_92 : vector<512xf32> to vector<512x1xf32>
    %div3A_94 = vector.broadcast %broadcast_in_dim3A_93 : vector<512x1xf32> to vector<512x1024xf32>
    %div3A_95 = arith.divf %exp3A_90, %div3A_94 : vector<512x1024xf32>
    %convert_element_type3A_96 = arith.truncf %div3A_95 : vector<512x1024xf32> to vector<512x1024xbf16>
    %dot_general3A_97 = arith.constant dense<0.000000e+00> : vector<512x64xf32>
    %dot_general3A_98 = tpu.matmul %convert_element_type3A_96, %slice3A_82, %dot_general3A_97 {dimension_numbers = #tpu.dot_dimension_numbers<[1], [0], [0], [1], [0, 0, 1, 1], [], []>, transpose_lhs_hint = false} : vector<512x1024xbf16>, vector<1024x64xbf16>, vector<512x64xf32> -> vector<512x64xf32>
    %slice3A_99 = vector.extract_strided_slice %convert_element_type3A {offsets = [0, 320], sizes = [512, 64], strides = [1, 1]} : vector<512x512xbf16> to vector<512x64xbf16>
    %slice3A_100 = vector.extract_strided_slice %get3A_10 {offsets = [0, 320], sizes = [1024, 64], strides = [1, 1]} : vector<1024x1024xbf16> to vector<1024x64xbf16>
    %slice3A_101 = vector.extract_strided_slice %get3A_10 {offsets = [0, 832], sizes = [1024, 64], strides = [1, 1]} : vector<1024x1024xbf16> to vector<1024x64xbf16>
    %dot_general3A_102 = arith.constant dense<0.000000e+00> : vector<512x1024xf32>
    %dot_general3A_103 = tpu.matmul %slice3A_99, %slice3A_100, %dot_general3A_102 {dimension_numbers = #tpu.dot_dimension_numbers<[1], [1], [0], [0], [0, 0, 1, 0], [], []>, transpose_lhs_hint = false} : vector<512x64xbf16>, vector<1024x64xbf16>, vector<512x1024xf32> -> vector<512x1024xf32>
    %reduce_max3A_104 = arith.constant dense<0xFF800000> : vector<512xf32>
    %reduce_max3A_105 = vector.multi_reduction <maximumf>, %dot_general3A_103, %reduce_max3A_104 [1] : vector<512x1024xf32> to vector<512xf32>
    %broadcast_in_dim3A_106 = vector.shape_cast %reduce_max3A_105 : vector<512xf32> to vector<512x1xf32>
    %sub3A_107 = vector.broadcast %broadcast_in_dim3A_106 : vector<512x1xf32> to vector<512x1024xf32>
    %sub3A_108 = arith.subf %dot_general3A_103, %sub3A_107 : vector<512x1024xf32>
    %exp3A_109 = math.exp %sub3A_108 : vector<512x1024xf32>
    %reduce_sum3A_110 = arith.constant dense<0.000000e+00> : vector<512xf32>
    %reduce_sum3A_111 = vector.multi_reduction <add>, %exp3A_109, %reduce_sum3A_110 [1] : vector<512x1024xf32> to vector<512xf32>
    %broadcast_in_dim3A_112 = vector.shape_cast %reduce_sum3A_111 : vector<512xf32> to vector<512x1xf32>
    %div3A_113 = vector.broadcast %broadcast_in_dim3A_112 : vector<512x1xf32> to vector<512x1024xf32>
    %div3A_114 = arith.divf %exp3A_109, %div3A_113 : vector<512x1024xf32>
    %convert_element_type3A_115 = arith.truncf %div3A_114 : vector<512x1024xf32> to vector<512x1024xbf16>
    %dot_general3A_116 = arith.constant dense<0.000000e+00> : vector<512x64xf32>
    %dot_general3A_117 = tpu.matmul %convert_element_type3A_115, %slice3A_101, %dot_general3A_116 {dimension_numbers = #tpu.dot_dimension_numbers<[1], [0], [0], [1], [0, 0, 1, 1], [], []>, transpose_lhs_hint = false} : vector<512x1024xbf16>, vector<1024x64xbf16>, vector<512x64xf32> -> vector<512x64xf32>
    %slice3A_118 = vector.extract_strided_slice %convert_element_type3A {offsets = [0, 384], sizes = [512, 64], strides = [1, 1]} : vector<512x512xbf16> to vector<512x64xbf16>
    %slice3A_119 = vector.extract_strided_slice %get3A_10 {offsets = [0, 384], sizes = [1024, 64], strides = [1, 1]} : vector<1024x1024xbf16> to vector<1024x64xbf16>
    %slice3A_120 = vector.extract_strided_slice %get3A_10 {offsets = [0, 896], sizes = [1024, 64], strides = [1, 1]} : vector<1024x1024xbf16> to vector<1024x64xbf16>
    %dot_general3A_121 = arith.constant dense<0.000000e+00> : vector<512x1024xf32>
    %dot_general3A_122 = tpu.matmul %slice3A_118, %slice3A_119, %dot_general3A_121 {dimension_numbers = #tpu.dot_dimension_numbers<[1], [1], [0], [0], [0, 0, 1, 0], [], []>, transpose_lhs_hint = false} : vector<512x64xbf16>, vector<1024x64xbf16>, vector<512x1024xf32> -> vector<512x1024xf32>
    %reduce_max3A_123 = arith.constant dense<0xFF800000> : vector<512xf32>
    %reduce_max3A_124 = vector.multi_reduction <maximumf>, %dot_general3A_122, %reduce_max3A_123 [1] : vector<512x1024xf32> to vector<512xf32>
    %broadcast_in_dim3A_125 = vector.shape_cast %reduce_max3A_124 : vector<512xf32> to vector<512x1xf32>
    %sub3A_126 = vector.broadcast %broadcast_in_dim3A_125 : vector<512x1xf32> to vector<512x1024xf32>
    %sub3A_127 = arith.subf %dot_general3A_122, %sub3A_126 : vector<512x1024xf32>
    %exp3A_128 = math.exp %sub3A_127 : vector<512x1024xf32>
    %reduce_sum3A_129 = arith.constant dense<0.000000e+00> : vector<512xf32>
    %reduce_sum3A_130 = vector.multi_reduction <add>, %exp3A_128, %reduce_sum3A_129 [1] : vector<512x1024xf32> to vector<512xf32>
    %broadcast_in_dim3A_131 = vector.shape_cast %reduce_sum3A_130 : vector<512xf32> to vector<512x1xf32>
    %div3A_132 = vector.broadcast %broadcast_in_dim3A_131 : vector<512x1xf32> to vector<512x1024xf32>
    %div3A_133 = arith.divf %exp3A_128, %div3A_132 : vector<512x1024xf32>
    %convert_element_type3A_134 = arith.truncf %div3A_133 : vector<512x1024xf32> to vector<512x1024xbf16>
    %dot_general3A_135 = arith.constant dense<0.000000e+00> : vector<512x64xf32>
    %dot_general3A_136 = tpu.matmul %convert_element_type3A_134, %slice3A_120, %dot_general3A_135 {dimension_numbers = #tpu.dot_dimension_numbers<[1], [0], [0], [1], [0, 0, 1, 1], [], []>, transpose_lhs_hint = false} : vector<512x1024xbf16>, vector<1024x64xbf16>, vector<512x64xf32> -> vector<512x64xf32>
    %slice3A_137 = vector.extract_strided_slice %convert_element_type3A {offsets = [0, 448], sizes = [512, 64], strides = [1, 1]} : vector<512x512xbf16> to vector<512x64xbf16>
    %slice3A_138 = vector.extract_strided_slice %get3A_10 {offsets = [0, 448], sizes = [1024, 64], strides = [1, 1]} : vector<1024x1024xbf16> to vector<1024x64xbf16>
    %slice3A_139 = vector.extract_strided_slice %get3A_10 {offsets = [0, 960], sizes = [1024, 64], strides = [1, 1]} : vector<1024x1024xbf16> to vector<1024x64xbf16>
    %dot_general3A_140 = arith.constant dense<0.000000e+00> : vector<512x1024xf32>
    %dot_general3A_141 = tpu.matmul %slice3A_137, %slice3A_138, %dot_general3A_140 {dimension_numbers = #tpu.dot_dimension_numbers<[1], [1], [0], [0], [0, 0, 1, 0], [], []>, transpose_lhs_hint = false} : vector<512x64xbf16>, vector<1024x64xbf16>, vector<512x1024xf32> -> vector<512x1024xf32>
    %reduce_max3A_142 = arith.constant dense<0xFF800000> : vector<512xf32>
    %reduce_max3A_143 = vector.multi_reduction <maximumf>, %dot_general3A_141, %reduce_max3A_142 [1] : vector<512x1024xf32> to vector<512xf32>
    %broadcast_in_dim3A_144 = vector.shape_cast %reduce_max3A_143 : vector<512xf32> to vector<512x1xf32>
    %sub3A_145 = vector.broadcast %broadcast_in_dim3A_144 : vector<512x1xf32> to vector<512x1024xf32>
    %sub3A_146 = arith.subf %dot_general3A_141, %sub3A_145 : vector<512x1024xf32>
    %exp3A_147 = math.exp %sub3A_146 : vector<512x1024xf32>
    %reduce_sum3A_148 = arith.constant dense<0.000000e+00> : vector<512xf32>
    %reduce_sum3A_149 = vector.multi_reduction <add>, %exp3A_147, %reduce_sum3A_148 [1] : vector<512x1024xf32> to vector<512xf32>
    %broadcast_in_dim3A_150 = vector.shape_cast %reduce_sum3A_149 : vector<512xf32> to vector<512x1xf32>
    %div3A_151 = vector.broadcast %broadcast_in_dim3A_150 : vector<512x1xf32> to vector<512x1024xf32>
    %div3A_152 = arith.divf %exp3A_147, %div3A_151 : vector<512x1024xf32>
    %convert_element_type3A_153 = arith.truncf %div3A_152 : vector<512x1024xf32> to vector<512x1024xbf16>
    %dot_general3A_154 = arith.constant dense<0.000000e+00> : vector<512x64xf32>
    %dot_general3A_155 = tpu.matmul %convert_element_type3A_153, %slice3A_139, %dot_general3A_154 {dimension_numbers = #tpu.dot_dimension_numbers<[1], [0], [0], [1], [0, 0, 1, 1], [], []>, transpose_lhs_hint = false} : vector<512x1024xbf16>, vector<1024x64xbf16>, vector<512x64xf32> -> vector<512x64xf32>
    %concatenate3A = tpu.concatenate %dot_general3A_22, %dot_general3A_41, %dot_general3A_60, %dot_general3A_79, %dot_general3A_98, %dot_general3A_117, %dot_general3A_136, %dot_general3A_155 in 1 : vector<512x64xf32>, vector<512x64xf32>, vector<512x64xf32>, vector<512x64xf32>, vector<512x64xf32>, vector<512x64xf32>, vector<512x64xf32>, vector<512x64xf32> -> vector<512x512xf32>
    %convert_element_type3A_156 = arith.truncf %concatenate3A : vector<512x512xf32> to vector<512x512xbf16>
    %get3A_157 = arith.constant 0 : index
    %get3A_158 = arith.constant 0 : index
    %get3A_159 = vector.load %arg5[%get3A_157, %get3A_158] : memref<512x512xbf16, #tpu.memory_space<vmem>>, vector<512x512xbf16>
    %dot_general3A_160 = arith.constant dense<0.000000e+00> : vector<512x512xf32>
    %dot_general3A_161 = tpu.matmul %convert_element_type3A_156, %get3A_159, %dot_general3A_160 {dimension_numbers = #tpu.dot_dimension_numbers<[1], [0], [0], [1], [0, 0, 1, 1], [], []>, transpose_lhs_hint = false} : vector<512x512xbf16>, vector<512x512xbf16>, vector<512x512xf32> -> vector<512x512xf32>
    %get3A_162 = arith.constant 0 : index
    %get3A_163 = arith.constant 0 : index
    %get3A_164 = vector.load %arg6[%get3A_162, %get3A_163] : memref<1x512xf32, #tpu.memory_space<vmem>>, vector<1x512xf32>
    %add3A = vector.broadcast %get3A_164 : vector<1x512xf32> to vector<512x512xf32>
    %add3A_165 = arith.addf %dot_general3A_161, %add3A : vector<512x512xf32>
    %swap3A = arith.constant 0 : index
    %swap3A_166 = arith.constant 0 : index
    %swap3A_167 = vector.load %arg7[%swap3A, %swap3A_166] : memref<512x512xf32, #tpu.memory_space<vmem>>, vector<512x512xf32>
    tpu.vector_store %arg7[%swap3A, %swap3A_166], %add3A_165 {strides = array<i32>} : memref<512x512xf32, #tpu.memory_space<vmem>>, vector<512x512xf32>,
    return
  }
  func.func @transform_0(%arg0: i32, %arg1: i32) -> (i32, i32) {
    %mul3A = arith.constant 4 : i32
    %mul3A_0 = arith.muli %arg0, %mul3A : i32
    %add3A = arith.addi %mul3A_0, %arg1 : i32
    %c0_i32 = arith.constant 0 : i32
    %c0_i32_1 = arith.constant 0 : i32
    return %add3A, %c0_i32 : i32, i32
  }
  func.func @transform_1(%arg0: i32, %arg1: i32) -> (i32, i32) {
    %c0_i32 = arith.constant 0 : i32
    %c0_i32_0 = arith.constant 0 : i32
    %c0_i32_1 = arith.constant 0 : i32
    return %c0_i32, %c0_i32_0 : i32, i32
  }
  func.func @transform_2(%arg0: i32, %arg1: i32) -> (i32, i32, i32) {
    %c0_i32 = arith.constant 0 : i32
    %c0_i32_0 = arith.constant 0 : i32
    %c0_i32_1 = arith.constant 0 : i32
    return %arg0, %c0_i32, %c0_i32_0 : i32, i32, i32
  }
  func.func @transform_3(%arg0: i32, %arg1: i32) -> (i32, i32) {
    %c0_i32 = arith.constant 0 : i32
    %c0_i32_0 = arith.constant 0 : i32
    %c0_i32_1 = arith.constant 0 : i32
    return %c0_i32, %c0_i32_0 : i32, i32
  }
  func.func @transform_4(%arg0: i32, %arg1: i32) -> (i32, i32) {
    %c0_i32 = arith.constant 0 : i32
    %c0_i32_0 = arith.constant 0 : i32
    %c0_i32_1 = arith.constant 0 : i32
    return %c0_i32, %c0_i32_0 : i32, i32
  }
  func.func @transform_5(%arg0: i32, %arg1: i32) -> (i32, i32) {
    %mul3A = arith.constant 4 : i32
    %mul3A_0 = arith.muli %arg0, %mul3A : i32
    %add3A = arith.addi %mul3A_0, %arg1 : i32
    %c0_i32 = arith.constant 0 : i32
    %c0_i32_1 = arith.constant 0 : i32
    return %add3A, %c0_i32 : i32, i32
  }
}

</mosaic_0001>

<sc_bundles>
// kernel: sparse-core-data-format-call.cloned.1.call-start
scs
called_computation_lowered:
.L_overlay_start_0:
0x0: {  	s1 =	sld [smem:$0x3FD9]  }
0x1: {  	s2 =	sld [smem:$0x3FFE];
	_ =	sdelay $0x1  }
0x2: {  	s3 =	srdreg.scid  }
0x3: {  	s0 =	sand.u32 $0x1, s3  }
0x4: {  	s17 =	sshll.u32 s0, $0xA;
	s1 =	sadd.s32 s2, s1  }
0x5: {  	s1 =	sadd.s32 s1, s17  }
0x6: {  	[smem:$0x3FBB] =	sst s1  }
0x7: {  	_ = 	snop  }
0x8: {  	(tm) =	ssettm $0x1  }
0x9: {  	s18 =	sld [smem:$0x3FFB];
	_ =	sdelay $0x3  }
0xa: {  	_ =	strace s18  }
0xb: {  	s1 =	sld [smem:$0x3FFC];
	_ =	sdelay $0x3  }
0xc: {  	_ =	strace s1  }
0xd: {  	s1 =	sld [smem:$0x3FFD];
	_ =	sdelay $0x3  }
0xe: {  	_ =	strace s1  }
0xf: {  	_ =	strace $0x8FFFFFFF  }
0x10: {  	s19 =	sld [smem:$0x3FDB];
	_ =	sdelay $0x1  }
0x11: {  	s20 =	simm.s32 $_scs_section_size  }
0x12: {  	s4 =	simm.s32 $_size__tile_overlayer_lowered;
	s5 =	simm.s32 $_tile_overlayer_lowered  }
0x13: {  	s23 =	simm.s32 $0x1BFF;
	s22 =	sshll.u32 s5, $0x1;
	s1 =	sadd.s32 s20, s19  }
0x14: {  	s6 =	simm.s32 $0x0;
	s21 =	sshll.u32 s4, $0x1;
	s4 =	sadd.s32 s22, s1  }
0x15: {  	[timem:s6], [sflag:s23] =	dma.local [hbm:s4], s21  }
0x16: {  	_ =	swait.ge [sflag:s23], s21  }
0x17: {  	s2 =	ssub.s32 $0x0, s21;
	[sflag:s23] =	ssyncset.done $0x0  }
0x18: {  	[sflag:s23] =	ssyncadd.s32 s2;
	_ =	sdelay $0x1  }
0x19: {  	s24 =	simm.s32 $0x1B8B  }
0x1a: {  	_ =	swait.ge [sflag:s24], $0x1  }
0x1b: {  	[sflag:s24] =	ssyncset.done $0x0  }
0x1c: {  	s26 =	simm.s32 $0x1B8E;
	s25 =	sld [smem:$0x3FFE];
	[sflag:s24] =	ssyncadd.s32 $0xFFFFFFFF  }
0x1d: {  	s27 =	simm.s32 $execute0_lowered;
	[smem:$0x3FD2] =	sst s26  }
0x1e: {  	s4 =	sshll.u32 s27, $0x1;
	_ =	strace $0x80000046;
	[dreg:$0x1] =	wrdreg $0xFFFFFFFF  }
0x1f: {  	s28 =	simm.s32 $_size_execute0_lowered;
	s1 =	sadd.s32 s1, s4;
	[dreg:$0x0] =	wrdreg $0x0  }
0x20: {  	s4 =	sshll.u32 s28, $0x1;
	[dreg:$0x2] =	wrdreg s1  }
0x21: {  	[dreg:$0x3] =	wrdreg s4  }
0x22: {  	[dreg:$0x4] =	wrdreg $0xC0  }
0x23: {  	_ =	task [dreg:s6], $0x5FFFF  }
0x24: {  	[dreg:$0x1] =	wrdreg $0xFFFFFFFF  }
0x25: {  	[dreg:$0x0] =	wrdreg $0x60  }
0x26: {  	[dreg:$0x2] =	wrdreg s25  }
0x27: {  	[dreg:$0x3] =	wrdreg $0x9  }
0x28: {  	_ =	task.clear_ibuf [dreg:s6], $0x4FFFF;
	_ =	strace $0x90000046  }
0x29: {  	s29 =	simm.s32 $0x9;
	_ =	strace $0x80000048  }
0x2a: {  	_ =	swait.ge [sflag:s29], $0x1  }
0x2b: {  	[sflag:s29] =	ssyncadd.s32 $0xFFFFFFFF  }
0x2c: {  	_ =	strace $0x90000048  }
0x2d: {  	_ =	sfence  }
0x2e: {  	s30 =	sld [smem:$0x0];
	_ =	sdelay $0x2  }
0x2f: {  	s31 =	sshll.u32 s3, $0xD;
	s3 =	sshrl.u32 s3, $0x2  }
0x30: {  	s2 =	sand.u32 $0x4000, s31;
	s1 =	sadd.s32 s3, s30  }
0x31: {  	s0 =	sor.u32 s2, s0;
	s1 =	sshll.u32 s1, $0x11  }
0x32: {  	s0 =	sor.u32 s1, s0  }
0x33: {  	s0 =	sadd.s32 $0x8F2B, s0  }
0x34: {  	[sflag:s0] =	ssyncadd.remote.s32 $0x1  }
0x35: {  	_ =	sfence.sel $0xFFFF  }
0x36: {  	[dreg:$0x0] =	wrdreg $0xFFFFFFFF;
	(pc) =	sbr.abs _section_cstart, $3  }
0x37: {  	[dreg:$0x1] =	wrdreg $0xFFFFFFFF  }
0x38: {  	_ =	task.clear_ibuf [dreg:s6], $0x2FFFF;
	_ =	strace $0x9FFFFFFF  }
0x39: {  	(tm) =	ssettm $0x7FFFFFFF  }
tec
execute0_lowered:
.L_overlay_start_1:
0x0: {  	(tag) =	ssettag $0x1  }
0x1: {  	s1 =	rddreg [dreg:$0x0]  }
0x2: {  	s0 =	rddreg [dreg:$0x1];
	s3 =	srdreg.scid  }
0x3: {  	_ =	strace $0x80000047;
	s5 =	simm.s32 $0x1;
	s7 =	simm.s32 $0x2  }
0x4: {  	s13 =	simm.s32 $0x0;
	p0 =	por $0x0, $0x0;
	s8 =	simm.s32 $0x400  }
0x5: {  	s14 =	simm.s32 $0x0;
	s15 =	simm.s32 $0x0;
	s10 =	simm.s32 $0x0  }
.Ltmp0:
0x6: {  	s2 =	sadd.s32 $0x1600, s1;
	s4 =	sshll.u32 s3, $0x4;
	(pc) =	sbr.rel .LBB1_1-.Ltmp0, $4  }
0x7: {  	s3 =	sadd.s32 $0x101600, s1;
	s1 =	stileid.u32;
	s4 =	sand.u32 $0x10, s4  }
0x8: {  	s9 =	simm.s32 $0x0;
	[sflag:s5] =	ssyncpa.u1 $0x0;
	s6 =	sor.u32 s1, s4  }
0x9: {  	[sflag:s7] =	ssyncpa.u1 $0x0;
	s4 =	sand.u32 $0x7, s1;
	s6 =	sshrl.u32 s6, $0x3  }
0xa: {  	s7 =	simm.s32 $0x200;
	s12 =	smov.u32 s4;
	s11 =	smov.u32 s6  }
.LBB1_5:
0xb: {  	s16 =	sadd.s32 $0x1, s10  }
0xc: {  	s13 =	sadd.s32 $0x4, s11;
	s17 =	smov.u32 s11;
	p2 =	sgt.s32 s16, $0x1  }
0xd: {  	s17 =	smov.u32 @p2 s13  }
0xe: {  	s19 =	smov.u32 s12;
	s13 =	sadd.s32 $0x8, s12;
	p3 =	sgt.s32 s17, $0x1F  }
0xf: {  	p1 =	slt.u32 s9, $0x2;
	s19 =	smov.u32 @p3 s13  }
0x10: {  	s9 =	sadd.s32 $0x1, s9;
	s16 =	simm.s32 @p2 $0x0;
	p2 =	sgt.s32 s19, $0x7  }
0x11: {  	s19 =	smov.u32 @p2 s4;
	p2 =	sne.s32 s9, $0x12  }
.Ltmp1:
0x12: {  	s18 =	simm.s32 @!p1 $0x2;
	(pc) =	sbr.rel @!p2 .LBB1_6-.Ltmp1, $4  }
0x13: {  	s14 =	smov.u32 s11;
	_ =	swait.ge @!p1 [sflag:s18], $0x4000  }
0x14: {  	s15 =	smov.u32 s12;
	p0 =	por !p0, !p0;
	[sflag:s18] =	ssyncset.done @!p1 $0x0  }
0x15: {  	s17 =	smov.u32 @p3 s6;
	s13 =	smov.u32 s10;
	[sflag:s18] =	ssyncadd.s32 @!p1 $0xFFFFC000  }
0x16: {  	s10 =	smov.u32 s16;
	s11 =	smov.u32 s17;
	s12 =	smov.u32 s19  }
.LBB1_1:
0x17: {  	p1 =	sgt.u32 s9, $0xF  }
0x18: {  	s16 =	sshll.u32 @!p1 s12, $0x11  }
0x19: {  	s17 =	sxor.u32 @!p1 $0xFFFFFFFF, s9;
	s18 =	sshll.u32 @!p1 s11, $0xC;
	s16 =	sadd.s32 @!p1 s2, s16  }
0x1a: {  	s19 =	sshll.u32 @!p1 s10, $0xB;
	s17 =	sshll.u32 @!p1 s17, $0xE;
	s16 =	sadd.s32 @!p1 s18, s16  }
0x1b: {  	s17 =	sand.u32 @!p1 $0x4000, s17;
	s18 =	simm.s32 @!p1 $0x0;
	s16 =	sadd.s32 @!p1 s19, s16  }
0x1c: {  	[tilespmem:s17], [sflag:$0x1] =	stream.linear.gather @!p1 [hbm4b:s16+s18], $0x4000, $0x38;
	[tilespmem:$0x10000] =	vst v63  }
0x1d: {  	p1 =	seq.s32 s9, $0x0  }
0x1e: {  	p2 =	seq.s32 @!p1 s9, $0x11  }
0x1f: {  	p1 =	por p1, p2  }
.Ltmp2:
0x20: {  	_ = 	snop;
	(pc) =	sbr.rel @p1 .LBB1_5-.Ltmp2, $1  }
0x21: {  	_ =	sdelay $0x3  }
0x22: {  	s16 =	simm.s32 $0x1  }
0x23: {  	s16 =	simm.s32 @!p0 $0x0  }
0x24: {  	s16 =	sshll.u32 s16, $0xE  }
0x25: {  	v1 =	vmov s16;
	_ =	sdelay $0x1  }
0x26: {  	_ =	swait.ge [sflag:s5], $0x4000  }
0x27: {  	[sflag:s5] =	ssyncset.done $0x0  }
0x28: {  	s17 =	simm.s32 $0x0;
	[sflag:s5] =	ssyncadd.s32 $0xFFFFC000  }
0x29: {  	s16 =	sor.u32 $0x8100, s16;
	v2 =	vld.idx.msk [tilespmem:v1+s17+$0x1F0 ss:$0x1], $0xffff  }
0x2a: {  	v0 =	vmov s16;
	v3 =	vld.idx.msk [tilespmem:v1+s17+$0x0 ss:$0x1], $0xffff  }
0x2b: {  	v4 =	vld.idx.msk [tilespmem:v1+s17+$0x10 ss:$0x1], $0xffff  }
0x2c: {  	v5 =	vld.idx.msk [tilespmem:v1+s17+$0x20 ss:$0x1], $0xffff  }
0x2d: {  	v6 =	vld.idx.msk [tilespmem:v1+s17+$0x30 ss:$0x1], $0xffff  }
0x2e: {  	v7 =	vld.idx.msk [tilespmem:v1+s17+$0x40 ss:$0x1], $0xffff  }
0x2f: {  	v8 =	vld.idx.msk [tilespmem:v1+s17+$0x50 ss:$0x1], $0xffff;
	[tilespmem:v0+s17+$0xF0 ss:$0x1] =	vst.idx.msk $0xffff, v2  }
0x30: {  	[tilespmem:v0+s17+$0xFFFFFF00 ss:$0x1] =	vst.idx.msk $0xffff, v3;
	v2 =	vld.idx.msk [tilespmem:v1+s17+$0x60 ss:$0x1], $0xffff  }
0x31: {  	[tilespmem:v0+s17+$0xFFFFFF10 ss:$0x1] =	vst.idx.msk $0xffff, v4;
	v3 =	vld.idx.msk [tilespmem:v1+s17+$0x70 ss:$0x1], $0xffff  }
0x32: {  	[tilespmem:v0+s17+$0xFFFFFF20 ss:$0x1] =	vst.idx.msk $0xffff, v5;
	v4 =	vld.idx.msk [tilespmem:v1+s17+$0x80 ss:$0x1], $0xffff  }
0x33: {  	[tilespmem:v0+s17+$0xFFFFFF30 ss:$0x1] =	vst.idx.msk $0xffff, v6;
	v5 =	vld.idx.msk [tilespmem:v1+s17+$0x90 ss:$0x1], $0xffff  }
0x34: {  	[tilespmem:v0+s17+$0xFFFFFF40 ss:$0x1] =	vst.idx.msk $0xffff, v7;
	v6 =	vld.idx.msk [tilespmem:v1+s17+$0xA0 ss:$0x1], $0xffff  }
0x35: {  	[tilespmem:v0+s17+$0xFFFFFF50 ss:$0x1] =	vst.idx.msk $0xffff, v8;
	v7 =	vld.idx.msk [tilespmem:v1+s17+$0xB0 ss:$0x1], $0xffff  }
0x36: {  	v8 =	vld.idx.msk [tilespmem:v1+s17+$0x180 ss:$0x1], $0xffff;
	[tilespmem:v0+s17+$0xFFFFFF60 ss:$0x1] =	vst.idx.msk $0xffff, v2  }
0x37: {  	v2 =	vld.idx.msk [tilespmem:v1+s17+$0xC0 ss:$0x1], $0xffff;
	[tilespmem:v0+s17+$0xFFFFFF70 ss:$0x1] =	vst.idx.msk $0xffff, v3  }
0x38: {  	v3 =	vld.idx.msk [tilespmem:v1+s17+$0xD0 ss:$0x1], $0xffff;
	[tilespmem:v0+s17+$0xFFFFFF80 ss:$0x1] =	vst.idx.msk $0xffff, v4  }
0x39: {  	v4 =	vld.idx.msk [tilespmem:v1+s17+$0xE0 ss:$0x1], $0xffff;
	[tilespmem:v0+s17+$0xFFFFFF90 ss:$0x1] =	vst.idx.msk $0xffff, v5  }
0x3a: {  	v5 =	vld.idx.msk [tilespmem:v1+s17+$0xF0 ss:$0x1], $0xffff;
	[tilespmem:v0+s17+$0xFFFFFFA0 ss:$0x1] =	vst.idx.msk $0xffff, v6  }
0x3b: {  	v6 =	vld.idx.msk [tilespmem:v1+s17+$0x100 ss:$0x1], $0xffff;
	[tilespmem:v0+s17+$0xFFFFFFB0 ss:$0x1] =	vst.idx.msk $0xffff, v7  }
0x3c: {  	v7 =	vld.idx.msk [tilespmem:v1+s17+$0x110 ss:$0x1], $0xffff;
	[tilespmem:v0+s17+$0x80 ss:$0x1] =	vst.idx.msk $0xffff, v8  }
0x3d: {  	[tilespmem:v0+s17+$0xFFFFFFC0 ss:$0x1] =	vst.idx.msk $0xffff, v2;
	v2 =	vld.idx.msk [tilespmem:v1+s17+$0x120 ss:$0x1], $0xffff  }
0x3e: {  	[tilespmem:v0+s17+$0xFFFFFFD0 ss:$0x1] =	vst.idx.msk $0xffff, v3;
	v3 =	vld.idx.msk [tilespmem:v1+s17+$0x130 ss:$0x1], $0xffff  }
0x3f: {  	[tilespmem:v0+s17+$0xFFFFFFE0 ss:$0x1] =	vst.idx.msk $0xffff, v4;
	v4 =	vld.idx.msk [tilespmem:v1+s17+$0x140 ss:$0x1], $0xffff  }
0x40: {  	[tilespmem:v0+s17+$0xFFFFFFF0 ss:$0x1] =	vst.idx.msk $0xffff, v5;
	v5 =	vld.idx.msk [tilespmem:v1+s17+$0x150 ss:$0x1], $0xffff  }
0x41: {  	[tilespmem:v0+s17+$0x0 ss:$0x1] =	vst.idx.msk $0xffff, v6;
	v6 =	vld.idx.msk [tilespmem:v1+s17+$0x160 ss:$0x1], $0xffff  }
0x42: {  	[tilespmem:v0+s17+$0x10 ss:$0x1] =	vst.idx.msk $0xffff, v7;
	v7 =	vld.idx.msk [tilespmem:v1+s17+$0x170 ss:$0x1], $0xffff  }
0x43: {  	[tilespmem:v0+s17+$0x20 ss:$0x1] =	vst.idx.msk $0xffff, v2;
	v2 =	vld.idx.msk [tilespmem:v1+s17+$0x190 ss:$0x1], $0xffff  }
0x44: {  	[tilespmem:v0+s17+$0x30 ss:$0x1] =	vst.idx.msk $0xffff, v3;
	v3 =	vld.idx.msk [tilespmem:v1+s17+$0x1A0 ss:$0x1], $0xffff  }
0x45: {  	[tilespmem:v0+s17+$0x40 ss:$0x1] =	vst.idx.msk $0xffff, v4;
	v4 =	vld.idx.msk [tilespmem:v1+s17+$0x1B0 ss:$0x1], $0xffff  }
0x46: {  	s31 =	sshll.u32 s9, $0xE;
	[tilespmem:v0+s17+$0x50 ss:$0x1] =	vst.idx.msk $0xffff, v5;
	v5 =	vld.idx.msk [tilespmem:v1+s17+$0x1C0 ss:$0x1], $0xffff  }
0x47: {  	s16 =	sand.u32 $0x4000, s31;
	[tilespmem:v0+s17+$0x60 ss:$0x1] =	vst.idx.msk $0xffff, v6;
	v6 =	vld.idx.msk [tilespmem:v1+s17+$0x1D0 ss:$0x1], $0xffff  }
0x48: {  	s19 =	simm.s32 $0x200;
	s18 =	simm.s32 $0x1000;
	s16 =	sor.u32 $0x8000, s16;
	[tilespmem:v0+s17+$0x70 ss:$0x1] =	vst.idx.msk $0xffff, v7;
	v7 =	vld.idx.msk [tilespmem:v1+s17+$0x1E0 ss:$0x1], $0xffff  }
.LBB1_3:
0x49: {  	p1 =	sne.s32 s18, $0xF800;
	v8 =	vld.idx.msk [tilespmem:v1+s19+$0x1F0 ss:$0x1], $0xffff;
	[tilespmem:v0+s17+$0x90 ss:$0x1] =	vst.idx.msk $0xffff, v2  }
0x4a: {  	v2 =	vld.idx.msk [tilespmem:v1+s19+$0x0 ss:$0x1], $0xffff;
	[tilespmem:v0+s17+$0xA0 ss:$0x1] =	vst.idx.msk $0xffff, v3  }
0x4b: {  	v3 =	vld.idx.msk [tilespmem:v1+s19+$0x10 ss:$0x1], $0xffff;
	[tilespmem:v0+s17+$0xB0 ss:$0x1] =	vst.idx.msk $0xffff, v4  }
0x4c: {  	v4 =	vld.idx.msk [tilespmem:v1+s19+$0x20 ss:$0x1], $0xffff;
	[tilespmem:v0+s17+$0xC0 ss:$0x1] =	vst.idx.msk $0xffff, v5  }
0x4d: {  	v5 =	vld.idx.msk [tilespmem:v1+s19+$0x30 ss:$0x1], $0xffff;
	[tilespmem:v0+s17+$0xD0 ss:$0x1] =	vst.idx.msk $0xffff, v6  }
0x4e: {  	v6 =	vld.idx.msk [tilespmem:v1+s19+$0x40 ss:$0x1], $0xffff;
	[tilespmem:v0+s17+$0xE0 ss:$0x1] =	vst.idx.msk $0xffff, v7;
	s17 =	smov.u32 s19  }
0x4f: {  	v7 =	vld.idx.msk [tilespmem:v1+s17+$0x50 ss:$0x1], $0xffff;
	[tilespmem:v0+s17+$0xF0 ss:$0x1] =	vst.idx.msk $0xffff, v8  }
0x50: {  	[tilespmem:v0+s17+$0xFFFFFF00 ss:$0x1] =	vst.idx.msk $0xffff, v2;
	v2 =	vld.idx.msk [tilespmem:v1+s17+$0x60 ss:$0x1], $0xffff  }
0x51: {  	[tilespmem:v0+s17+$0xFFFFFF10 ss:$0x1] =	vst.idx.msk $0xffff, v3;
	v3 =	vld.idx.msk [tilespmem:v1+s17+$0x70 ss:$0x1], $0xffff  }
0x52: {  	[tilespmem:v0+s17+$0xFFFFFF20 ss:$0x1] =	vst.idx.msk $0xffff, v4;
	v4 =	vld.idx.msk [tilespmem:v1+s17+$0x80 ss:$0x1], $0xffff  }
0x53: {  	[tilespmem:v0+s17+$0xFFFFFF30 ss:$0x1] =	vst.idx.msk $0xffff, v5;
	v5 =	vld.idx.msk [tilespmem:v1+s17+$0x90 ss:$0x1], $0xffff  }
0x54: {  	[tilespmem:v0+s17+$0xFFFFFF40 ss:$0x1] =	vst.idx.msk $0xffff, v6;
	v6 =	vld.idx.msk [tilespmem:v1+s17+$0xA0 ss:$0x1], $0xffff  }
0x55: {  	[tilespmem:v0+s17+$0xFFFFFF50 ss:$0x1] =	vst.idx.msk $0xffff, v7;
	v7 =	vld.idx.msk [tilespmem:v1+s17+$0xB0 ss:$0x1], $0xffff  }
0x56: {  	[tilespmem:v0+s17+$0xFFFFFF60 ss:$0x1] =	vst.idx.msk $0xffff, v2;
	v2 =	vld.idx.msk [tilespmem:v1+s17+$0xC0 ss:$0x1], $0xffff  }
0x57: {  	[tilespmem:v0+s17+$0xFFFFFF70 ss:$0x1] =	vst.idx.msk $0xffff, v3;
	v3 =	vld.idx.msk [tilespmem:v1+s17+$0xD0 ss:$0x1], $0xffff  }
0x58: {  	[tilespmem:v0+s17+$0xFFFFFF80 ss:$0x1] =	vst.idx.msk $0xffff, v4;
	v4 =	vld.idx.msk [tilespmem:v1+s17+$0xE0 ss:$0x1], $0xffff  }
0x59: {  	[tilespmem:v0+s17+$0xFFFFFF90 ss:$0x1] =	vst.idx.msk $0xffff, v5;
	v5 =	vld.idx.msk [tilespmem:v1+s17+$0xF0 ss:$0x1], $0xffff  }
0x5a: {  	[tilespmem:v0+s17+$0xFFFFFFA0 ss:$0x1] =	vst.idx.msk $0xffff, v6;
	v6 =	vld.idx.msk [tilespmem:v1+s17+$0x100 ss:$0x1], $0xffff  }
0x5b: {  	[tilespmem:v0+s17+$0xFFFFFFB0 ss:$0x1] =	vst.idx.msk $0xffff, v7;
	v7 =	vld.idx.msk [tilespmem:v1+s17+$0x110 ss:$0x1], $0xffff  }
0x5c: {  	[tilespmem:v0+s17+$0xFFFFFFC0 ss:$0x1] =	vst.idx.msk $0xffff, v2;
	v2 =	vld.idx.msk [tilespmem:v1+s17+$0x120 ss:$0x1], $0xffff  }
0x5d: {  	[tilespmem:v0+s17+$0xFFFFFFD0 ss:$0x1] =	vst.idx.msk $0xffff, v3;
	v3 =	vld.idx.msk [tilespmem:v1+s17+$0x130 ss:$0x1], $0xffff  }
0x5e: {  	[tilespmem:v0+s17+$0xFFFFFFE0 ss:$0x1] =	vst.idx.msk $0xffff, v4;
	v4 =	vld.idx.msk [tilespmem:v1+s17+$0x140 ss:$0x1], $0xffff  }
0x5f: {  	[tilespmem:v0+s17+$0xFFFFFFF0 ss:$0x1] =	vst.idx.msk $0xffff, v5;
	v5 =	vld.idx.msk [tilespmem:v1+s17+$0x150 ss:$0x1], $0xffff  }
0x60: {  	[tilespmem:v0+s17+$0x0 ss:$0x1] =	vst.idx.msk $0xffff, v6;
	v6 =	vld.idx.msk [tilespmem:v1+s17+$0x160 ss:$0x1], $0xffff  }
0x61: {  	[tilespmem:v0+s17+$0x10 ss:$0x1] =	vst.idx.msk $0xffff, v7;
	v7 =	vld.idx.msk [tilespmem:v1+s17+$0x170 ss:$0x1], $0xffff  }
0x62: {  	[tilespmem:v0+s17+$0x20 ss:$0x1] =	vst.idx.msk $0xffff, v2;
	v8 =	vld.idx.msk [tilespmem:v1+s17+$0x180 ss:$0x1], $0xffff  }
0x63: {  	[tilespmem:v0+s17+$0x30 ss:$0x1] =	vst.idx.msk $0xffff, v3;
	v2 =	vld.idx.msk [tilespmem:v1+s17+$0x190 ss:$0x1], $0xffff  }
.Ltmp3:
0x64: {  	[tilespmem:v0+s17+$0x40 ss:$0x1] =	vst.idx.msk $0xffff, v4;
	v3 =	vld.idx.msk [tilespmem:v1+s17+$0x1A0 ss:$0x1], $0xffff;
	(pc) =	sbr.rel @p1 .LBB1_3-.Ltmp3, $4  }
0x65: {  	[tilespmem:v0+s17+$0x50 ss:$0x1] =	vst.idx.msk $0xffff, v5;
	v4 =	vld.idx.msk [tilespmem:v1+s17+$0x1B0 ss:$0x1], $0xffff  }
0x66: {  	[tilespmem:v0+s17+$0x60 ss:$0x1] =	vst.idx.msk $0xffff, v6;
	v5 =	vld.idx.msk [tilespmem:v1+s17+$0x1C0 ss:$0x1], $0xffff  }
0x67: {  	[tilespmem:v0+s17+$0x70 ss:$0x1] =	vst.idx.msk $0xffff, v7;
	v6 =	vld.idx.msk [tilespmem:v1+s17+$0x1D0 ss:$0x1], $0xffff  }
0x68: {  	s19 =	sshra.s32 s18, $0x2;
	s18 =	sadd.s32 $0x800, s18;
	[tilespmem:v0+s17+$0x80 ss:$0x1] =	vst.idx.msk $0xffff, v8;
	v7 =	vld.idx.msk [tilespmem:v1+s17+$0x1E0 ss:$0x1], $0xffff  }
0x69: {  	_ =	sdelay $0x3  }
0x6a: {  	[tilespmem:v0+s17+$0x90 ss:$0x1] =	vst.idx.msk $0xffff, v2  }
0x6b: {  	v32 =	vld.idx.msk [tilespmem:v1+s19+$0x1F0 ss:$0x1], $0xffff;
	[tilespmem:v0+s17+$0xA0 ss:$0x1] =	vst.idx.msk $0xffff, v3  }
0x6c: {  	v33 =	vld.idx.msk [tilespmem:v1+s19+$0x0 ss:$0x1], $0xffff;
	[tilespmem:v0+s17+$0xB0 ss:$0x1] =	vst.idx.msk $0xffff, v4  }
0x6d: {  	v34 =	vld.idx.msk [tilespmem:v1+s19+$0x10 ss:$0x1], $0xffff;
	[tilespmem:v0+s17+$0xC0 ss:$0x1] =	vst.idx.msk $0xffff, v5  }
0x6e: {  	v35 =	vld.idx.msk [tilespmem:v1+s19+$0x20 ss:$0x1], $0xffff;
	[tilespmem:v0+s17+$0xD0 ss:$0x1] =	vst.idx.msk $0xffff, v6  }
0x6f: {  	v36 =	vld.idx.msk [tilespmem:v1+s19+$0x30 ss:$0x1], $0xffff;
	[tilespmem:v0+s17+$0xE0 ss:$0x1] =	vst.idx.msk $0xffff, v7  }
0x70: {  	v37 =	vld.idx.msk [tilespmem:v1+s19+$0x40 ss:$0x1], $0xffff;
	[tilespmem:v0+s19+$0xF0 ss:$0x1] =	vst.idx.msk $0xffff, v32  }
0x71: {  	v38 =	vld.idx.msk [tilespmem:v1+s19+$0x50 ss:$0x1], $0xffff;
	[tilespmem:v0+s19+$0xFFFFFF00 ss:$0x1] =	vst.idx.msk $0xffff, v33  }
0x72: {  	v39 =	vld.idx.msk [tilespmem:v1+s19+$0x60 ss:$0x1], $0xffff;
	[tilespmem:v0+s19+$0xFFFFFF10 ss:$0x1] =	vst.idx.msk $0xffff, v34  }
0x73: {  	v40 =	vld.idx.msk [tilespmem:v1+s19+$0x70 ss:$0x1], $0xffff;
	[tilespmem:v0+s19+$0xFFFFFF20 ss:$0x1] =	vst.idx.msk $0xffff, v35  }
0x74: {  	v41 =	vld.idx.msk [tilespmem:v1+s19+$0x80 ss:$0x1], $0xffff;
	[tilespmem:v0+s19+$0xFFFFFF30 ss:$0x1] =	vst.idx.msk $0xffff, v36  }
0x75: {  	v42 =	vld.idx.msk [tilespmem:v1+s19+$0x90 ss:$0x1], $0xffff;
	[tilespmem:v0+s19+$0xFFFFFF40 ss:$0x1] =	vst.idx.msk $0xffff, v37  }
0x76: {  	v43 =	vld.idx.msk [tilespmem:v1+s19+$0xA0 ss:$0x1], $0xffff;
	[tilespmem:v0+s19+$0xFFFFFF50 ss:$0x1] =	vst.idx.msk $0xffff, v38  }
0x77: {  	v44 =	vld.idx.msk [tilespmem:v1+s19+$0xB0 ss:$0x1], $0xffff;
	[tilespmem:v0+s19+$0xFFFFFF60 ss:$0x1] =	vst.idx.msk $0xffff, v39  }
0x78: {  	v45 =	vld.idx.msk [tilespmem:v1+s19+$0xC0 ss:$0x1], $0xffff;
	[tilespmem:v0+s19+$0xFFFFFF70 ss:$0x1] =	vst.idx.msk $0xffff, v40  }
0x79: {  	v46 =	vld.idx.msk [tilespmem:v1+s19+$0xD0 ss:$0x1], $0xffff;
	[tilespmem:v0+s19+$0xFFFFFF80 ss:$0x1] =	vst.idx.msk $0xffff, v41  }
0x7a: {  	v47 =	vld.idx.msk [tilespmem:v1+s19+$0xE0 ss:$0x1], $0xffff;
	[tilespmem:v0+s19+$0xFFFFFF90 ss:$0x1] =	vst.idx.msk $0xffff, v42  }
0x7b: {  	v48 =	vld.idx.msk [tilespmem:v1+s19+$0xF0 ss:$0x1], $0xffff;
	[tilespmem:v0+s19+$0xFFFFFFA0 ss:$0x1] =	vst.idx.msk $0xffff, v43  }
0x7c: {  	v49 =	vld.idx.msk [tilespmem:v1+s19+$0x100 ss:$0x1], $0xffff;
	[tilespmem:v0+s19+$0xFFFFFFB0 ss:$0x1] =	vst.idx.msk $0xffff, v44  }
0x7d: {  	v50 =	vld.idx.msk [tilespmem:v1+s19+$0x110 ss:$0x1], $0xffff;
	[tilespmem:v0+s19+$0xFFFFFFC0 ss:$0x1] =	vst.idx.msk $0xffff, v45  }
0x7e: {  	v51 =	vld.idx.msk [tilespmem:v1+s19+$0x120 ss:$0x1], $0xffff;
	[tilespmem:v0+s19+$0xFFFFFFD0 ss:$0x1] =	vst.idx.msk $0xffff, v46  }
0x7f: {  	v52 =	vld.idx.msk [tilespmem:v1+s19+$0x130 ss:$0x1], $0xffff;
	[tilespmem:v0+s19+$0xFFFFFFE0 ss:$0x1] =	vst.idx.msk $0xffff, v47  }
0x80: {  	v53 =	vld.idx.msk [tilespmem:v1+s19+$0x140 ss:$0x1], $0xffff;
	[tilespmem:v0+s19+$0xFFFFFFF0 ss:$0x1] =	vst.idx.msk $0xffff, v48  }
0x81: {  	v54 =	vld.idx.msk [tilespmem:v1+s19+$0x150 ss:$0x1], $0xffff;
	[tilespmem:v0+s19+$0x0 ss:$0x1] =	vst.idx.msk $0xffff, v49  }
0x82: {  	v55 =	vld.idx.msk [tilespmem:v1+s19+$0x160 ss:$0x1], $0xffff;
	[tilespmem:v0+s19+$0x10 ss:$0x1] =	vst.idx.msk $0xffff, v50  }
0x83: {  	v56 =	vld.idx.msk [tilespmem:v1+s19+$0x170 ss:$0x1], $0xffff;
	[tilespmem:v0+s19+$0x20 ss:$0x1] =	vst.idx.msk $0xffff, v51  }
0x84: {  	v57 =	vld.idx.msk [tilespmem:v1+s19+$0x180 ss:$0x1], $0xffff;
	[tilespmem:v0+s19+$0x30 ss:$0x1] =	vst.idx.msk $0xffff, v52  }
0x85: {  	v58 =	vld.idx.msk [tilespmem:v1+s19+$0x190 ss:$0x1], $0xffff;
	[tilespmem:v0+s19+$0x40 ss:$0x1] =	vst.idx.msk $0xffff, v53  }
0x86: {  	v59 =	vld.idx.msk [tilespmem:v1+s19+$0x1A0 ss:$0x1], $0xffff;
	[tilespmem:v0+s19+$0x50 ss:$0x1] =	vst.idx.msk $0xffff, v54  }
0x87: {  	v60 =	vld.idx.msk [tilespmem:v1+s19+$0x1B0 ss:$0x1], $0xffff;
	[tilespmem:v0+s19+$0x60 ss:$0x1] =	vst.idx.msk $0xffff, v55  }
0x88: {  	v61 =	vld.idx.msk [tilespmem:v1+s19+$0x1C0 ss:$0x1], $0xffff;
	[tilespmem:v0+s19+$0x70 ss:$0x1] =	vst.idx.msk $0xffff, v56  }
0x89: {  	v62 =	vld.idx.msk [tilespmem:v1+s19+$0x1D0 ss:$0x1], $0xffff;
	[tilespmem:v0+s19+$0x80 ss:$0x1] =	vst.idx.msk $0xffff, v57  }
0x8a: {  	v63 =	vld.idx.msk [tilespmem:v1+s19+$0x1E0 ss:$0x1], $0xffff;
	[tilespmem:v0+s19+$0x90 ss:$0x1] =	vst.idx.msk $0xffff, v58  }
0x8b: {  	[tilespmem:v0+s19+$0xA0 ss:$0x1] =	vst.idx.msk $0xffff, v59  }
.Ltmp4:
0x8c: {  	s15 =	sshll.u32 s15, $0x11;
	[tilespmem:v0+s19+$0xB0 ss:$0x1] =	vst.idx.msk $0xffff, v60;
	(pc) =	sbr.rel .LBB1_5-.Ltmp4, $4  }
0x8d: {  	s14 =	sshll.u32 s14, $0xC;
	s15 =	sadd.s32 s3, s15;
	[tilespmem:v0+s19+$0xC0 ss:$0x1] =	vst.idx.msk $0xffff, v61  }
0x8e: {  	s13 =	sshll.u32 s13, $0x6;
	s14 =	sadd.s32 s14, s15;
	[tilespmem:v0+s19+$0xD0 ss:$0x1] =	vst.idx.msk $0xffff, v62  }
0x8f: {  	s13 =	sadd.s32 s13, s14;
	[tilespmem:v0+s19+$0xE0 ss:$0x1] =	vst.idx.msk $0xffff, v63  }
0x90: {  	[hbm4b:s13+s7] =	stream.strided.scatter [tilespmem:s16], [sflag:$0x2], $0x4000, s8, s7, $0x38;
	[tilespmem:$0x10000] =	vst v63  }
.LBB1_6:
0x91: {  	_ =	sfence.sel $0x180000  }
0x92: {  	s2 =	simm.s32 $0x1;
	[bflag:$0x0] =	sbarrier.arrive $0xFFFF  }
0x93: {  	s31 =	simm.s32 $0x2;
	[sflag:s2] =	ssyncpa.u1 $0x1  }
0x94: {  	[sflag:s31] =	ssyncpa.u1 $0x1  }
0x95: {  	p0 =	sne.s32 s1, $0x0;
	_ =	strace $0x90000047  }
0x96: {  	s0 =	sadd.s32 @!p0 $0x100000, s0;
	[bflag:$0x2] =	sbarrier.arrive $0xFFFF  }
0x97: {  	[sflag:s0] =	ssyncadd.tile.s32 @!p0 $0x1;
	_ =	shalt  }
.Lfunc_end1:
_tile_overlayer_lowered:
.L_overlay_start_2:
0x98: {  	(tag) =	ssettag $0x2  }
0x99: {  	s0 =	rddreg [dreg:$0x0];
	s2 =	stileid.u32  }
0x9a: {  	s1 =	rddreg [dreg:$0x1];
	p0 =	sne.s32 s2, $0x0  }
0x9b: {  	s3 =	rddreg [dreg:$0x2];
	[bflag:$0x3] =	sbarrier.arrive $0xFFFF;
	s2 =	simm.s32 @!p0 $0x1C01  }
0x9c: {  	[timem:s3], [sflag:s2] =	dma.local @!p0 [hbm:s0], s1  }
0x9d: {  	s0 =	simm.s32 @!p0 $0x1  }
0x9e: {  	_ =	swait.ge @!p0 [sflag:s0], s1  }
0x9f: {  	s1 =	ssub.s32 @!p0 $0x0, s1;
	[sflag:s0] =	ssyncset.done @!p0 $0x0  }
0xa0: {  	[sflag:s0] =	ssyncadd.s32 @!p0 s1  }
0xa1: {  	[bflag:$0x3] =	sbarrier.arrive $0xFFFF  }
0xa2: {  	_ =	shalt  }

</sc_bundles>
